<compile_context>
chip_gen: v7x
topology: tpu7x:2x2x1
jax: 0.10.2.dev20260603
libtpu: 0.0.44.dev20260713+nightly
codegen_flags: <defaults>
</compile_context>

<pallas_src>
import functools

import jax
import jax.numpy as jnp
from jax.experimental import pallas as pl
from jax.experimental.pallas import tpu as pltpu
from jax.experimental.pallas import tpu_sc as plsc

_SHAPE = (4, 4, 10)


@functools.partial(
    pl.kernel,
    out_type=jax.ShapeDtypeStruct(_SHAPE, jnp.float32),
    mesh=plsc.ScalarSubcoreMesh(axis_name="c", num_cores=1),
    scratch_types=[
        pltpu.SMEM(_SHAPE, jnp.float32),
        pltpu.SMEM((2,), jnp.float32),
        pltpu.SMEM((2,), jnp.int32),
        pltpu.SMEM((2,), jnp.int32),
        pltpu.SemaphoreType.DMA,
        pltpu.SemaphoreType.DMA,
        pltpu.SemaphoreType.DMA,
        pltpu.SemaphoreType.DMA,
    ],
)
def _scs_update(upd_hbm, i1_hbm, i2_hbm, p_hbm, out_hbm,
                p_s, upd_s, i1_s, i2_s, sem0, sem1, sem2, sem3):
    cp = pltpu.async_copy(p_hbm, p_s, sem0)
    cu = pltpu.async_copy(upd_hbm, upd_s, sem1)
    c1 = pltpu.async_copy(i1_hbm, i1_s, sem2)
    c2 = pltpu.async_copy(i2_hbm, i2_s, sem3)
    cu.wait()
    c1.wait()
    c2.wait()
    cp.wait()
    for j in range(2):
        p_s[i1_s[j], j + 1, i2_s[j]] = upd_s[j]
    pltpu.sync_copy(p_s, out_hbm)


def kernel(update, index1, index2, params):
    return _scs_update(
        update, index1.astype(jnp.int32), index2.astype(jnp.int32), params
    )

# --- scband reference (transcript-rebuilt; emitter-appended) ---
"""Pipeline reference for scband-update-model-11879879542037 (READ-ONLY COPY).

The authoritative reference and input builder live on the scoring server;
editing this copy changes nothing except your own understanding.
"""

import jax, jax.numpy as jnp
import numpy as np


def setup_inputs(seed: int = 0) -> dict:
    key = jax.random.key(seed)
    k1, k2, k3 = jax.random.split(key, 3)
    update = jax.random.normal(k1, (2,), dtype=jnp.float32)
    index1 = jax.random.randint(k2, (2,), 0, 4, dtype=jnp.int64)
    index2 = jax.random.randint(k3, (2,), 0, 10, dtype=jnp.int64)
    params = jnp.zeros((4, 4, 10), dtype=jnp.float32)
    return {"update": update, "index1": index1, "index2": index2, "params": params}


def reference(update, index1, index2, params):
    mid = jnp.array([1, 2], dtype=jnp.int64)
    # copy = params.clone(); copy[index1, [1,2], index2] = update
    copy = params.at[index1, mid, index2].set(update)
    return copy

if __name__ == "__main__":
    import jax
    _d = setup_inputs()
    print(jax.jit(kernel)(*tuple(_d.values())))

</pallas_src>

<mosaic_0001>
#map = affine_map<(d0) -> (0)>
#map1 = affine_map<(d0) -> (0, 0, 0)>
module attributes {stable_mosaic.version = 14 : i64} {
  func.func @_scs_update(%arg0: i32, %arg1: memref<2xf32, #tpu.memory_space<hbm>>, %arg2: memref<2xi32, #tpu.memory_space<hbm>>, %arg3: memref<2xi32, #tpu.memory_space<hbm>>, %arg4: memref<4x4x10xf32, #tpu.memory_space<hbm>>, %arg5: memref<4x4x10xf32, #tpu.memory_space<hbm>>, %arg6: memref<4x4x10xf32, #tpu.memory_space<smem>>, %arg7: memref<2xf32, #tpu.memory_space<smem>>, %arg8: memref<2xi32, #tpu.memory_space<smem>>, %arg9: memref<2xi32, #tpu.memory_space<smem>>, %arg10: memref<!tpu.dma_semaphore, #tpu.memory_space<semaphore_mem>>, %arg11: memref<!tpu.dma_semaphore, #tpu.memory_space<semaphore_mem>>, %arg12: memref<!tpu.dma_semaphore, #tpu.memory_space<semaphore_mem>>, %arg13: memref<!tpu.dma_semaphore, #tpu.memory_space<semaphore_mem>>) attributes {dimension_semantics = [#tpu.dimension_semantics<core_parallel>], iteration_bounds = array<i64: 1>, scalar_prefetch = 0 : i64, scratch_operands = 8 : i64, tpu.core_type = #tpu.core_type<sc_scalar_subcore>, window_params = [{transform_indices = #map}, {transform_indices = #map}, {transform_indices = #map}, {transform_indices = #map1}, {transform_indices = #map1}]} {
    tpu.enqueue_dma source(%arg4 : memref<4x4x10xf32, #tpu.memory_space<hbm>>) target(%arg6 : memref<4x4x10xf32, #tpu.memory_space<smem>>) target_semaphore(%arg10 : memref<!tpu.dma_semaphore, #tpu.memory_space<semaphore_mem>>)
    tpu.enqueue_dma source(%arg1 : memref<2xf32, #tpu.memory_space<hbm>>) target(%arg7 : memref<2xf32, #tpu.memory_space<smem>>) target_semaphore(%arg11 : memref<!tpu.dma_semaphore, #tpu.memory_space<semaphore_mem>>)
    tpu.enqueue_dma source(%arg2 : memref<2xi32, #tpu.memory_space<hbm>>) target(%arg8 : memref<2xi32, #tpu.memory_space<smem>>) target_semaphore(%arg12 : memref<!tpu.dma_semaphore, #tpu.memory_space<semaphore_mem>>)
    tpu.enqueue_dma source(%arg3 : memref<2xi32, #tpu.memory_space<hbm>>) target(%arg9 : memref<2xi32, #tpu.memory_space<smem>>) target_semaphore(%arg13 : memref<!tpu.dma_semaphore, #tpu.memory_space<semaphore_mem>>)
    tpu.wait_dma2 semaphore(%arg11 : memref<!tpu.dma_semaphore, #tpu.memory_space<semaphore_mem>>) src(%arg1 : memref<2xf32, #tpu.memory_space<hbm>>) dst(%arg7 : memref<2xf32, #tpu.memory_space<smem>>)
    tpu.wait_dma2 semaphore(%arg12 : memref<!tpu.dma_semaphore, #tpu.memory_space<semaphore_mem>>) src(%arg2 : memref<2xi32, #tpu.memory_space<hbm>>) dst(%arg8 : memref<2xi32, #tpu.memory_space<smem>>)
    tpu.wait_dma2 semaphore(%arg13 : memref<!tpu.dma_semaphore, #tpu.memory_space<semaphore_mem>>) src(%arg3 : memref<2xi32, #tpu.memory_space<hbm>>) dst(%arg9 : memref<2xi32, #tpu.memory_space<smem>>)
    tpu.wait_dma2 semaphore(%arg10 : memref<!tpu.dma_semaphore, #tpu.memory_space<semaphore_mem>>) src(%arg4 : memref<4x4x10xf32, #tpu.memory_space<hbm>>) dst(%arg6 : memref<4x4x10xf32, #tpu.memory_space<smem>>)
    %get3A = arith.constant 0 : i32
    %get3A_0 = arith.index_cast %get3A : i32 to index
    %get3A_1 = memref.load %arg7[%get3A_0] : memref<2xf32, #tpu.memory_space<smem>>
    %get3A_2 = arith.constant 0 : i32
    %get3A_3 = arith.index_cast %get3A_2 : i32 to index
    %get3A_4 = memref.load %arg8[%get3A_3] : memref<2xi32, #tpu.memory_space<smem>>
    %get3A_5 = arith.constant 0 : i32
    %get3A_6 = arith.index_cast %get3A_5 : i32 to index
    %get3A_7 = memref.load %arg9[%get3A_6] : memref<2xi32, #tpu.memory_space<smem>>
    %swap3A = arith.constant 1 : i32
    %swap3A_8 = arith.index_cast %get3A_4 : i32 to index
    %swap3A_9 = arith.index_cast %swap3A : i32 to index
    %swap3A_10 = arith.index_cast %get3A_7 : i32 to index
    %swap3A_11 = memref.load %arg6[%swap3A_8, %swap3A_9, %swap3A_10] : memref<4x4x10xf32, #tpu.memory_space<smem>>
    memref.store %get3A_1, %arg6[%swap3A_8, %swap3A_9, %swap3A_10] : memref<4x4x10xf32, #tpu.memory_space<smem>>
    %get3A_12 = arith.constant 1 : i32
    %get3A_13 = arith.index_cast %get3A_12 : i32 to index
    %get3A_14 = memref.load %arg7[%get3A_13] : memref<2xf32, #tpu.memory_space<smem>>
    %get3A_15 = arith.constant 1 : i32
    %get3A_16 = arith.index_cast %get3A_15 : i32 to index
    %get3A_17 = memref.load %arg8[%get3A_16] : memref<2xi32, #tpu.memory_space<smem>>
    %get3A_18 = arith.constant 1 : i32
    %get3A_19 = arith.index_cast %get3A_18 : i32 to index
    %get3A_20 = memref.load %arg9[%get3A_19] : memref<2xi32, #tpu.memory_space<smem>>
    %swap3A_21 = arith.constant 2 : i32
    %swap3A_22 = arith.index_cast %get3A_17 : i32 to index
    %swap3A_23 = arith.index_cast %swap3A_21 : i32 to index
    %swap3A_24 = arith.index_cast %get3A_20 : i32 to index
    %swap3A_25 = memref.load %arg6[%swap3A_22, %swap3A_23, %swap3A_24] : memref<4x4x10xf32, #tpu.memory_space<smem>>
    memref.store %get3A_14, %arg6[%swap3A_22, %swap3A_23, %swap3A_24] : memref<4x4x10xf32, #tpu.memory_space<smem>>
    "tpu.region"() ({
      %run_scoped3A = tpu.sem_alloc : memref<!tpu.dma_semaphore, #tpu.memory_space<semaphore_mem>>
      tpu.enqueue_dma source(%arg6 : memref<4x4x10xf32, #tpu.memory_space<smem>>) target(%arg5 : memref<4x4x10xf32, #tpu.memory_space<hbm>>) target_semaphore(%run_scoped3A : memref<!tpu.dma_semaphore, #tpu.memory_space<semaphore_mem>>)
      tpu.wait_dma2 semaphore(%run_scoped3A : memref<!tpu.dma_semaphore, #tpu.memory_space<semaphore_mem>>) src(%arg6 : memref<4x4x10xf32, #tpu.memory_space<smem>>) dst(%arg5 : memref<4x4x10xf32, #tpu.memory_space<hbm>>)
      tpu.yield
    }) : () -> ()
    return
  }
}

</mosaic_0001>

<sc_bundles>
// kernel: kernel.3.cloned.1.call-start
scs
__scs_entry_jumppad:
0x0: {  	(pc) =	sbr.rel $0x88, $3  }
0x1: {  	(tag) =	ssettag $0x0;
	lr =	simm.s32 $0x1  }
0x2: {  	[smem:$0x3F9D] =	sst lr;
	_ =	strace $0xD0000000  }
0x3: {  	_ = 	snop  }
0x4: {  	_ = 	snop  }
0x5: {  	_ = 	snop  }
0x6: {  	_ = 	snop  }
0x7: {  	_ = 	snop  }
__scs_overlays_trampoline_lowered:
0x8: {  	[smem:$0x3FAC] =	sst s0  }
0x9: {  	[smem:$0x3FAD] =	sst s1  }
0xa: {  	[smem:$0x3FAE] =	sst s2  }
0xb: {  	[smem:$0x3FAF] =	sst s3  }
0xc: {  	[smem:$0x3FB0] =	sst s4  }
0xd: {  	[smem:$0x3FB1] =	sst s5  }
0xe: {  	[smem:$0x3FB2] =	sst s6  }
0xf: {  	[smem:$0x3FB3] =	sst s7  }
0x10: {  	[smem:$0x3FB4] =	sst s8  }
0x11: {  	[smem:$0x3FB5] =	sst s9;
	s0 =	simm.s32 @!p0 $0x0  }
0x12: {  	s1 =	sld [smem:$0x3F9B];
	s0 =	simm.s32 @p0 $0x1  }
0x13: {  	[smem:$0x3FB6] =	sst s0;
	s0 =	simm.s32 @!p1 $0x0  }
0x14: {  	s2 =	sld [smem:$0x3F9A];
	s0 =	simm.s32 @p1 $0x1  }
0x15: {  	[smem:$0x3FB7] =	sst s0;
	s0 =	simm.s32 @!p2 $0x0  }
0x16: {  	s3 =	sld [smem:$0x3FDB];
	s0 =	simm.s32 @p2 $0x1  }
0x17: {  	s4 =	simm.s32 $0x1BF5;
	[smem:$0x3FB9] =	sst s0  }
0x18: {  	s0 =	sld [smem:$0x3F9C];
	_ =	swait.ge [sflag:s4], $0x0  }
0x19: {  	s7 =	sld [smem:$0x3F9D]  }
0x1a: {  	s8 =	sadd.s32 $0xFFFFE003, lr  }
0x1b: {  	s9 =	sadd.s32 $0xFFFFFEF7, lr;
	s5 =	simm.s32 $0xFFFFFFFF;
	p2 =	slt.u32 s8, $0xFFFFF086  }
0x1c: {  	p1 =	slt.u32 s9, $0xF7A;
	s5 =	simm.s32 @!p2 $0x0  }
0x1d: {  	s5 =	simm.s32 @p1 $0x1;
	p0 =	seq.s32 s7, s2  }
0x1e: {  	s7 =	smul.u32 @!p0 $0xF7A, s2;
	p2 =	seq.s32 @!p0 s5, $0x0  }
0x1f: {  	s9 =	smul.u32 $0xF7A, s1;
	s8 =	simm.s32 @!p0 $0x1BF5;
	p2 =	por !p2, p0  }
0x20: {  	[sflag:s8] =	ssyncset.s32 @!p0 $0xFFFFF086;
	s6 =	sadd.s32 @!p0 s3, s7;
	s7 =	simm.s32 @!p0 $0x108  }
0x21: {  	s3 =	sadd.s32 s3, s9;
	s6 =	sadd.s32 @!p0 $0x88, s6;
	s7 =	simm.s32 @p2 $0x1082  }
0x22: {  	[simem:s7], [sflag:s8] =	dma.local @!p0 [hbm:s6], $0xF7A  }
0x23: {  	s9 =	sor.u32 $0xD0000000, s2;
	s6 =	simm.s32 $0x108;
	_ =	swait.ge @!p0 [sflag:s8], $0x0  }
0x24: {  	s3 =	sadd.s32 $0x88, s3;
	s6 =	simm.s32 @!p1 $0x1082;
	[sflag:s4] =	ssyncset.s32 $0xFFFFF086  }
0x25: {  	[simem:s6], [sflag:s4] =	dma.local [hbm:s3], $0xF7A  }
0x26: {  	[smem:$0x3F9D] =	sst s1;
	(tag) =	ssettag s2;
	_ =	strace s9  }
0x27: {  	s1 =	sld [smem:$0x3FAD]  }
0x28: {  	s2 =	sld [smem:$0x3FAE]  }
0x29: {  	s4 =	sld [smem:$0x3FB0]  }
0x2a: {  	p0 =	seq.s32 s5, $0x0;
	s5 =	sld [smem:$0x3FB1]  }
0x2b: {  	s6 =	sld [smem:$0x3FB2]  }
0x2c: {  	s7 =	sld [smem:$0x3FB3]  }
0x2d: {  	s3 =	simm.s32 $0x108;
	s8 =	sld [smem:$0x3FB4]  }
0x2e: {  	s3 =	simm.s32 @!p0 $0x1082;
	s9 =	sld [smem:$0x3FB5]  }
0x2f: {  	lr =	sadd.s32 s0, s3;
	s0 =	sld [smem:$0x3FAC]  }
0x30: {  	s3 =	sld [smem:$0x3FAF]  }
0x31: {  	[smem:$0x3FB8] =	sst s10  }
0x32: {  	s10 =	sld [smem:$0x3FB6];
	_ =	sdelay $0x3  }
0x33: {  	p0 =	seq.s32 s10, $0x1;
	s10 =	sld [smem:$0x3FB8];
	_ =	sdelay $0x3  }
0x34: {  	[smem:$0x3FB8] =	sst s10  }
0x35: {  	s10 =	sld [smem:$0x3FB7];
	_ =	sdelay $0x3  }
0x36: {  	p1 =	seq.s32 s10, $0x1;
	s10 =	sld [smem:$0x3FB8];
	_ =	sdelay $0x3  }
0x37: {  	[smem:$0x3FB8] =	sst s10  }
0x38: {  	s10 =	sld [smem:$0x3FB9]  }
0x39: {  	_ = 	snop;
	(pc) =	sbr.ind lr, $3  }
0x3a: {  	_ = 	snop  }
0x3b: {  	_ = 	snop  }
0x3c: {  	p2 =	seq.s32 s10, $0x1;
	s10 =	sld [smem:$0x3FB8]  }
0x3d: {  	_ =	shalt  }
0x3e: {  	_ =	shalt  }
0x3f: {  	_ =	shalt  }
0x40: {  	_ =	shalt  }
0x41: {  	_ =	shalt  }
0x42: {  	_ =	shalt  }
0x43: {  	_ =	shalt  }
0x44: {  	_ =	shalt  }
0x45: {  	_ =	shalt  }
0x46: {  	_ =	shalt  }
0x47: {  	_ =	shalt  }
0x48: {  	_ =	shalt  }
0x49: {  	_ =	shalt  }
0x4a: {  	_ =	shalt  }
0x4b: {  	_ =	shalt  }
0x4c: {  	_ =	shalt  }
0x4d: {  	_ =	shalt  }
0x4e: {  	_ =	shalt  }
0x4f: {  	_ =	shalt  }
0x50: {  	_ =	shalt  }
0x51: {  	_ =	shalt  }
0x52: {  	_ =	shalt  }
0x53: {  	_ =	shalt  }
0x54: {  	_ =	shalt  }
0x55: {  	_ =	shalt  }
0x56: {  	_ =	shalt  }
0x57: {  	_ =	shalt  }
0x58: {  	_ =	shalt  }
0x59: {  	_ =	shalt  }
0x5a: {  	_ =	shalt  }
0x5b: {  	_ =	shalt  }
0x5c: {  	_ =	shalt  }
0x5d: {  	_ =	shalt  }
0x5e: {  	_ =	shalt  }
0x5f: {  	_ =	shalt  }
0x60: {  	_ =	shalt  }
0x61: {  	_ =	shalt  }
0x62: {  	_ =	shalt  }
0x63: {  	_ =	shalt  }
0x64: {  	_ =	shalt  }
0x65: {  	_ =	shalt  }
0x66: {  	_ =	shalt  }
0x67: {  	_ =	shalt  }
0x68: {  	_ =	shalt  }
0x69: {  	_ =	shalt  }
0x6a: {  	_ =	shalt  }
0x6b: {  	_ =	shalt  }
0x6c: {  	_ =	shalt  }
0x6d: {  	_ =	shalt  }
0x6e: {  	_ =	shalt  }
0x6f: {  	_ =	shalt  }
0x70: {  	_ =	shalt  }
0x71: {  	_ =	shalt  }
0x72: {  	_ =	shalt  }
0x73: {  	_ =	shalt  }
0x74: {  	_ =	shalt  }
0x75: {  	_ =	shalt  }
0x76: {  	_ =	shalt  }
0x77: {  	_ =	shalt  }
0x78: {  	_ =	shalt  }
0x79: {  	_ =	shalt  }
0x7a: {  	_ =	shalt  }
0x7b: {  	_ =	shalt  }
0x7c: {  	_ =	shalt  }
0x7d: {  	_ =	shalt  }
0x7e: {  	_ =	shalt  }
0x7f: {  	_ =	shalt  }
0x80: {  	_ =	shalt  }
0x81: {  	_ =	shalt  }
0x82: {  	_ =	shalt  }
0x83: {  	_ =	shalt  }
0x84: {  	_ =	shalt  }
0x85: {  	_ =	shalt  }
0x86: {  	_ =	shalt  }
0x87: {  	_ =	shalt  }
.Lfunc_end0:
.L_simem_size_0:
called_computation_lowered:
.L_overlay_start_0:
0x88: {  	s0 =	sld [smem:$0x3FD9]  }
0x89: {  	s1 =	sld [smem:$0x3FFE];
	_ =	sdelay $0x3  }
0x8a: {  	s0 =	sadd.s32 s1, s0  }
0x8b: {  	[smem:$0x3FC4] =	sst s0  }
0x8c: {  	_ = 	snop  }
0x8d: {  	s11 =	sld [smem:$0x3FC9]  }
0x8e: {  	s2 =	sld [smem:$0x3FC8]  }
0x8f: {  	s3 =	sld [smem:$0x3FC7]  }
0x90: {  	s4 =	sld [smem:$0x3FC6]  }
0x91: {  	s0 =	sld [smem:$0x3FD0];
	(tm) =	ssettm $0x1  }
0x92: {  	s5 =	sld [smem:$0x3FFB];
	_ =	sdelay $0x3  }
0x93: {  	_ =	strace s5  }
0x94: {  	s5 =	sld [smem:$0x3FFC];
	_ =	sdelay $0x3  }
0x95: {  	_ =	strace s5  }
0x96: {  	s5 =	sld [smem:$0x3FFD];
	_ =	sdelay $0x3  }
0x97: {  	_ =	strace s5  }
0x98: {  	s12 =	simm.s32 $0x1B8B;
	_ =	strace $0x8FFFFFFF  }
0x99: {  	s13 =	simm.s32 $0x1B8E;
	_ =	swait.ge [sflag:s12], $0x1  }
0x9a: {  	s14 =	simm.s32 $0x9;
	s6 =	simm.s32 $0x10;
	[sflag:s12] =	ssyncset.done $0x0  }
0x9b: {  	s15 =	simm.s32 $0xA;
	s7 =	simm.s32 $0x810;
	[sflag:s12] =	ssyncadd.s32 $0xFFFFFFFF  }
0x9c: {  	s16 =	simm.s32 $0xB;
	s17 =	simm.s32 $0x890;
	[smem:$0x3FD2] =	sst s13  }
0x9d: {  	s18 =	simm.s32 $0xC;
	s19 =	simm.s32 $0x910;
	_ =	strace $0x80000046  }
0x9e: {  	[smem:s6], [sflag:s14] =	dma.local [hbm:s4], $0x100  }
0x9f: {  	[smem:s7], [sflag:s15] =	dma.local [hbm:s11], $0x10  }
0xa0: {  	[smem:s17], [sflag:s16] =	dma.local [hbm:s2], $0x10  }
0xa1: {  	[smem:s19], [sflag:s18] =	dma.local [hbm:s3], $0x10  }
0xa2: {  	_ =	swait.ge [sflag:s15], $0x10  }
0xa3: {  	[sflag:s15] =	ssyncset.done $0x0  }
0xa4: {  	[sflag:s15] =	ssyncadd.s32 $0xFFFFFFF0;
	_ =	sdelay $0x2  }
0xa5: {  	_ =	swait.ge [sflag:s16], $0x10  }
0xa6: {  	[sflag:s16] =	ssyncset.done $0x0  }
0xa7: {  	[sflag:s16] =	ssyncadd.s32 $0xFFFFFFF0;
	_ =	sdelay $0x2  }
0xa8: {  	_ =	swait.ge [sflag:s18], $0x10  }
0xa9: {  	[sflag:s18] =	ssyncset.done $0x0  }
0xaa: {  	[sflag:s18] =	ssyncadd.s32 $0xFFFFFFF0;
	_ =	sdelay $0x2  }
0xab: {  	_ =	swait.ge [sflag:s14], $0x100  }
0xac: {  	[sflag:s14] =	ssyncset.done $0x0  }
0xad: {  	[sflag:s14] =	ssyncadd.s32 $0xFFFFFF00  }
0xae: {  	s20 =	sld [smem:$0x890]  }
0xaf: {  	s21 =	sld [smem:$0x910];
	_ =	sdelay $0x2  }
0xb0: {  	s1 =	sshll.u32 s20, $0x9  }
0xb1: {  	s22 =	sld [smem:$0x810];
	s23 =	sand.u32 $0xFFFFFF80, s21;
	s1 =	sand.u32 $0x3FFFFE00, s1  }
0xb2: {  	s2 =	sand.u32 $0x7F, s21;
	s1 =	sadd.s32 s23, s1  }
0xb3: {  	s1 =	sor.u32 s2, s1  }
0xb4: {  	s1 =	sadd.s32 $0x90, s1  }
0xb5: {  	[smem:s1] =	sst s22  }
0xb6: {  	s1 =	sld [smem:$0x891]  }
0xb7: {  	s24 =	sld [smem:$0x911];
	_ =	sdelay $0x2  }
0xb8: {  	s1 =	sshll.u32 s1, $0x9  }
0xb9: {  	s3 =	sld [smem:$0x811];
	s25 =	sand.u32 $0xFFFFFF80, s24;
	s1 =	sand.u32 $0x3FFFFE00, s1  }
0xba: {  	s2 =	sand.u32 $0x7F, s24;
	s1 =	sadd.s32 s25, s1  }
0xbb: {  	s1 =	sor.u32 s2, s1  }
0xbc: {  	s1 =	sadd.s32 $0x110, s1  }
0xbd: {  	s26 =	simm.s32 $0xD;
	[smem:s1] =	sst s3  }
0xbe: {  	[hbm:s0], [sflag:s26] =	dma.local [smem:s6], $0x100  }
0xbf: {  	_ =	swait.ge [sflag:s26], $0x100  }
0xc0: {  	[sflag:s26] =	ssyncset.done $0x0  }
0xc1: {  	[sflag:s26] =	ssyncadd.s32 $0xFFFFFF00  }
0xc2: {  	_ =	strace $0x90000046  }
0xc3: {  	_ =	sfence  }
0xc4: {  	s28 =	sld [smem:$0x0];
	_ =	sdelay $0x1  }
0xc5: {  	s29 =	srdreg.scid  }
0xc6: {  	s30 =	sshll.u32 s29, $0xD;
	s31 =	sshrl.u32 s29, $0x2  }
0xc7: {  	s2 =	sand.u32 $0x4000, s30;
	s1 =	sand.u32 $0x1, s29;
	s0 =	sadd.s32 s31, s28  }
0xc8: {  	s1 =	sor.u32 s2, s1;
	s0 =	sshll.u32 s0, $0x11  }
0xc9: {  	s0 =	sor.u32 s0, s1  }
0xca: {  	s0 =	sadd.s32 $0x8F2B, s0;
	(pc) =	sbr.abs _section_cstart, $3  }
0xcb: {  	[sflag:s0] =	ssyncadd.remote.s32 $0x1  }
0xcc: {  	_ =	strace $0x9FFFFFFF  }
0xcd: {  	(tm) =	ssettm $0x7FFFFFFF  }

</sc_bundles>
